<compile_context>
chip_gen: v7x
topology: tpu7x:2x2x1
jax: 0.10.2.dev20260603
libtpu: 0.0.44.dev20260713+nightly
codegen_flags: <defaults>
</compile_context>

<pallas_src>
import functools

import jax
import jax.numpy as jnp
from jax import lax
from jax.experimental import pallas as pl
from jax.experimental.pallas import tpu as pltpu
from jax.experimental.pallas import tpu_sc as plsc

T = 4096
L = 16
NCHUNK = T // L
BIG = T + 10


def _sc_body(in_hbm, out_hbm, e_v, out_v, stage_v):
    b = lax.axis_index("s")
    f = lax.axis_index("c")

    pltpu.sync_copy(in_hbm.at[b, pl.ds(2 * f, 2), :], stage_v)

    lane = lax.iota(jnp.int32, L)
    _dnums = lax.GatherDimensionNumbers(
        offset_dims=(), collapsed_slice_dims=(0,), start_index_map=(0,)
    )
    _first = jnp.zeros((L, 1), jnp.int32)
    _last = jnp.full((L, 1), L - 1, jnp.int32)
    _shl = jnp.minimum(lane + 1, L - 1)[:, None]
    _shr = jnp.maximum(lane - 1, 0)[:, None]

    def _gat(v, idx):
        return lax.gather(
            v, idx, _dnums, (1,), mode=lax.GatherScatterMode.PROMISE_IN_BOUNDS
        )

    @plsc.parallel_loop(
        0,
        NCHUNK,
        unroll=4,
        carry=(jnp.full((L,), -BIG, jnp.int32), jnp.zeros((L,), jnp.float32)),
    )
    def _bwd(i, carry):
        cmax, nf = carry
        base = (NCHUNK - 1 - i) * L
        cur = stage_v[1, pl.ds(base, L)]
        nxt = jnp.where(lane == L - 1, nf, _gat(cur, _shl))
        on = nxt > cur
        negpos = jnp.where(on, -(base + 1) - lane, -BIG)
        comb = jnp.maximum(jnp.flip(plsc.cummax(jnp.flip(negpos, 0)), 0), cmax)
        e_v[pl.ds(base, L)] = jnp.minimum(8 - comb, T)
        return _gat(comb, _first), _gat(cur, _first)

    @plsc.parallel_loop(
        0,
        NCHUNK,
        unroll=4,
        carry=(jnp.zeros((L,), jnp.int32), jnp.zeros((L,), jnp.float32)),
    )
    def _fwd(i, carry):
        mmax, pl_last = carry
        base = i * L
        pcur = stage_v[0, pl.ds(base, L)]
        pprev = jnp.where(lane == 0, pl_last, _gat(pcur, _shr))
        e = jnp.where(pcur > pprev, e_v[pl.ds(base, L)], 0)
        comb = jnp.maximum(plsc.cummax(e), mmax)
        out_v[pl.ds(base, L)] = jnp.where(comb > base + lane, 1.0, 0.0)
        return _gat(comb, _last), _gat(pcur, _last)

    pltpu.sync_copy(out_v, out_hbm.at[b, f])


@jax.jit
def _run(x):
    mesh = plsc.VectorSubcoreMesh(core_axis_name="c", subcore_axis_name="s")
    f = pl.kernel(
        _sc_body,
        out_type=jax.ShapeDtypeStruct((16, 2, T), jnp.float32),
        mesh=mesh,
        scratch_types=[
            pltpu.VMEM((T,), jnp.int32),
            pltpu.VMEM((T,), jnp.float32),
            pltpu.VMEM((2, T), jnp.float32),
        ],
        compiler_params=pltpu.CompilerParams(
            needs_layout_passes=False, use_tc_tiling_on_sc=True
        ),
    )
    return f(x)


def kernel(gesture_labels):
    return _run(gesture_labels)

# --- scband reference (transcript-rebuilt; emitter-appended) ---
"""Pipeline reference for scband-finger-state-mask-generator-1692217114933 (READ-ONLY COPY).

The authoritative reference and input builder live on the scoring server;
editing this copy changes nothing except your own understanding.
"""

import jax, jax.numpy as jnp
import numpy as np

LPAD = 0
RPAD = 7
# GestureType channel layout
INDEX_PRESS, INDEX_RELEASE, MIDDLE_PRESS, MIDDLE_RELEASE = 0, 1, 2, 3


def setup_inputs(seed: int = 0) -> dict:
    key = jax.random.key(seed)
    # binary press/release pulse labels: [B, 4, T]
    gesture_labels = jax.random.randint(key, (16, 4, 4096), 0, 2).astype(jnp.float32)
    return {"gesture_labels": gesture_labels}


def _finger_mask(press_sig, release_sig):
    T = press_sig.shape[0]
    zero = jnp.zeros((1,), press_sig.dtype)
    press_on = jnp.diff(press_sig, prepend=zero) > 0
    rel_on = jnp.diff(release_sig, prepend=zero) > 0
    BIG = T + 10
    idxs = jnp.arange(T)
    # position of each release onset, BIG where no onset
    rel_pos = jnp.where(rel_on, idxs, BIG)
    # suffix_min[t] = min release-onset index s with s >= t
    suffix_min = jax.lax.cummin(rel_pos[::-1])[::-1]
    # strictly-after release: min onset index s with s > t
    next_after = jnp.concatenate([suffix_min[1:], jnp.array([BIG])])
    # no future release -> last time step (matches torch loop)
    release_idx = jnp.where(next_after >= T, T - 1, next_after)
    starts = jnp.maximum(idxs - LPAD, 0)
    ends = jnp.minimum(release_idx + RPAD + 1, T)
    # union of [start, end) intervals for every press onset via diff-array scatter-add
    w = press_on.astype(jnp.int32)
    d = jnp.zeros((T + 1,), jnp.int32)
    d = d.at[starts].add(w)
    d = d.at[ends].add(-w)
    cov = jnp.cumsum(d)[:T]
    return (cov > 0).astype(jnp.float32)


def reference(gesture_labels):
    def per_batch(lab):
        m0 = _finger_mask(lab[INDEX_PRESS], lab[INDEX_RELEASE])
        m1 = _finger_mask(lab[MIDDLE_PRESS], lab[MIDDLE_RELEASE])
        return jnp.stack([m0, m1], axis=0)
    return jax.vmap(per_batch)(gesture_labels)

if __name__ == "__main__":
    import jax
    _d = setup_inputs()
    print(jax.jit(kernel)(*tuple(_d.values())))

</pallas_src>

<mosaic_0001>
#map = affine_map<(d0, d1) -> (0, 0, 0)>
module attributes {stable_mosaic.version = 14 : i64} {
  func.func @_sc_body(%arg0: i32, %arg1: i32, %arg2: memref<16x4x4096xf32, #tpu.memory_space<hbm>>, %arg3: memref<16x2x4096xf32, #tpu.memory_space<hbm>>, %arg4: memref<4096xi32, #tpu.memory_space<vmem>>, %arg5: memref<4096xf32, #tpu.memory_space<vmem>>, %arg6: memref<2x4096xf32, #tpu.memory_space<vmem>>) attributes {dimension_semantics = [#tpu.dimension_semantics<core_parallel>, #tpu.dimension_semantics<subcore_parallel>], iteration_bounds = array<i64: 2, 16>, scalar_prefetch = 0 : i64, scratch_operands = 3 : i64, tpu.core_type = #tpu.core_type<sc_vector_subcore>, window_params = [{transform_indices = #map}, {transform_indices = #map}]} {
    %mul3A = arith.constant 2 : i32
    %mul3A_0 = arith.muli %mul3A, %arg0 : i32
    "tpu.region"() ({
      %run_scoped3A = tpu.sem_alloc : memref<!tpu.dma_semaphore, #tpu.memory_space<semaphore_mem>>
      %dma_start3A = arith.constant 0 : i32
      %dma_start3A_29 = tpu.memref_slice %arg2[%arg1, %mul3A_0, %dma_start3A] : memref<16x4x4096xf32, #tpu.memory_space<hbm>> -> memref<1x2x4096xf32, #tpu.memory_space<hbm>>
      %dma_start3A_30 = tpu.memref_squeeze %dma_start3A_29 : memref<1x2x4096xf32, #tpu.memory_space<hbm>> -> memref<2x4096xf32, #tpu.memory_space<hbm>>
      %dma_start3A_31 = arith.constant 0 : i32
      %dma_start3A_32 = tpu.memref_slice %arg2[%arg1, %mul3A_0, %dma_start3A_31] : memref<16x4x4096xf32, #tpu.memory_space<hbm>> -> memref<1x2x4096xf32, #tpu.memory_space<hbm>>
      %dma_start3A_33 = tpu.memref_squeeze %dma_start3A_32 : memref<1x2x4096xf32, #tpu.memory_space<hbm>> -> memref<2x4096xf32, #tpu.memory_space<hbm>>
      tpu.enqueue_dma source(%dma_start3A_33 : memref<2x4096xf32, #tpu.memory_space<hbm>>) target(%arg6 : memref<2x4096xf32, #tpu.memory_space<vmem>>) target_semaphore(%run_scoped3A : memref<!tpu.dma_semaphore, #tpu.memory_space<semaphore_mem>>)
      %dma_wait3A = arith.constant 0 : i32
      %dma_wait3A_34 = tpu.memref_slice %arg2[%arg1, %mul3A_0, %dma_wait3A] : memref<16x4x4096xf32, #tpu.memory_space<hbm>> -> memref<1x2x4096xf32, #tpu.memory_space<hbm>>
      %dma_wait3A_35 = tpu.memref_squeeze %dma_wait3A_34 : memref<1x2x4096xf32, #tpu.memory_space<hbm>> -> memref<2x4096xf32, #tpu.memory_space<hbm>>
      %dma_wait3A_36 = arith.constant 0 : i32
      %dma_wait3A_37 = tpu.memref_slice %arg2[%arg1, %mul3A_0, %dma_wait3A_36] : memref<16x4x4096xf32, #tpu.memory_space<hbm>> -> memref<1x2x4096xf32, #tpu.memory_space<hbm>>
      %dma_wait3A_38 = tpu.memref_squeeze %dma_wait3A_37 : memref<1x2x4096xf32, #tpu.memory_space<hbm>> -> memref<2x4096xf32, #tpu.memory_space<hbm>>
      tpu.wait_dma2 semaphore(%run_scoped3A : memref<!tpu.dma_semaphore, #tpu.memory_space<semaphore_mem>>) src(%dma_wait3A_38 : memref<2x4096xf32, #tpu.memory_space<hbm>>) dst(%arg6 : memref<2x4096xf32, #tpu.memory_space<vmem>>)
      tpu.yield
    }) : () -> ()
    %iota3A = tpu.iota {dimensions = array<i32: 0>} : vector<16xi32>
    %broadcast_in_dim3A = arith.constant 0 : i32
    %broadcast_in_dim3A_1 = vector.broadcast %broadcast_in_dim3A : i32 to vector<16x1xi32>
    %broadcast_in_dim3A_2 = arith.constant 15 : i32
    %broadcast_in_dim3A_3 = vector.broadcast %broadcast_in_dim3A_2 : i32 to vector<16x1xi32>
    %add3A = arith.constant 1 : i32
    %add3A_4 = vector.broadcast %add3A : i32 to vector<16xi32>
    %add3A_5 = arith.addi %iota3A, %add3A_4 : vector<16xi32>
    %min3A = arith.constant 15 : i32
    %min3A_6 = vector.broadcast %min3A : i32 to vector<16xi32>
    %min3A_7 = arith.minsi %add3A_5, %min3A_6 : vector<16xi32>
    %broadcast_in_dim3A_8 = vector.shape_cast %min3A_7 : vector<16xi32> to vector<16x1xi32>
    %sub3A = arith.constant 1 : i32
    %sub3A_9 = vector.broadcast %sub3A : i32 to vector<16xi32>
    %sub3A_10 = arith.subi %iota3A, %sub3A_9 : vector<16xi32>
    %max3A = arith.constant 0 : i32
    %max3A_11 = vector.broadcast %max3A : i32 to vector<16xi32>
    %max3A_12 = arith.maxsi %sub3A_10, %max3A_11 : vector<16xi32>
    %broadcast_in_dim3A_13 = vector.shape_cast %max3A_12 : vector<16xi32> to vector<16x1xi32>
    %broadcast_in_dim3A_14 = arith.constant -4106 : i32
    %broadcast_in_dim3A_15 = vector.broadcast %broadcast_in_dim3A_14 : i32 to vector<16xi32>
    %broadcast_in_dim3A_16 = arith.constant 0.000000e+00 : f32
    %broadcast_in_dim3A_17 = vector.broadcast %broadcast_in_dim3A_16 : f32 to vector<16xf32>
    %parallel_loop3A = arith.constant 0 : i32
    %parallel_loop3A_18 = arith.constant 256 : i32
    %parallel_loop3A_19 = arith.constant 1 : i32
    %parallel_loop3A_20:2 = scf.for %parallel_loop3A_29 = %parallel_loop3A to %parallel_loop3A_18 step %parallel_loop3A_19 iter_args(%parallel_loop3A_30 = %broadcast_in_dim3A_15, %parallel_loop3A_31 = %broadcast_in_dim3A_17) -> (vector<16xi32>, vector<16xf32>)  : i32 {
      %parallel_loop3A_32 = arith.constant 255 : i32
      %parallel_loop3A_33 = arith.subi %parallel_loop3A_32, %parallel_loop3A_29 : i32
      %parallel_loop3A_34 = arith.constant 16 : i32
      %parallel_loop3A_35 = arith.muli %parallel_loop3A_33, %parallel_loop3A_34 : i32
      %parallel_loop3A_36 = arith.constant 1 : i32
      %parallel_loop3A_37 = arith.index_cast %parallel_loop3A_36 : i32 to index
      %parallel_loop3A_38 = arith.index_cast %parallel_loop3A_35 : i32 to index
      %parallel_loop3A_39 = tpu.vector_load %arg6[%parallel_loop3A_37, %parallel_loop3A_38] {strides = array<i32>} : memref<2x4096xf32, #tpu.memory_space<vmem>>, vector<16xf32>,
      %parallel_loop3A_40 = arith.constant 15 : i32
      %parallel_loop3A_41 = vector.broadcast %parallel_loop3A_40 : i32 to vector<16xi32>
      %parallel_loop3A_42 = arith.cmpi eq, %iota3A, %parallel_loop3A_41 : vector<16xi32>
      %parallel_loop3A_43 = vector.shape_cast %broadcast_in_dim3A_8 : vector<16x1xi32> to vector<16xi32>
      %parallel_loop3A_44 = tpu.dynamic_gather %parallel_loop3A_39[%parallel_loop3A_43] in [0] : vector<16xf32>, vector<16xi32> -> vector<16xf32>
      %parallel_loop3A_45 = arith.select %parallel_loop3A_42, %parallel_loop3A_31, %parallel_loop3A_44 : vector<16xi1>, vector<16xf32>
      %parallel_loop3A_46 = arith.cmpf ogt, %parallel_loop3A_45, %parallel_loop3A_39 : vector<16xf32>
      %parallel_loop3A_47 = arith.constant 1 : i32
      %parallel_loop3A_48 = arith.addi %parallel_loop3A_35, %parallel_loop3A_47 : i32
      %parallel_loop3A_49 = arith.constant 0 : i32
      %parallel_loop3A_50 = arith.subi %parallel_loop3A_49, %parallel_loop3A_48 : i32
      %parallel_loop3A_51 = vector.broadcast %parallel_loop3A_50 : i32 to vector<16xi32>
      %parallel_loop3A_52 = arith.subi %parallel_loop3A_51, %iota3A : vector<16xi32>
      %parallel_loop3A_53 = arith.constant -4106 : i32
      %parallel_loop3A_54 = vector.broadcast %parallel_loop3A_53 : i32 to vector<16xi32>
      %parallel_loop3A_55 = arith.select %parallel_loop3A_46, %parallel_loop3A_52, %parallel_loop3A_54 : vector<16xi1>, vector<16xi32>
      %parallel_loop3A_56 = arith.constant 15 : i32
      %parallel_loop3A_57 = vector.broadcast %parallel_loop3A_56 : i32 to vector<16xi32>
      %parallel_loop3A_58 = tpu.iota {dimensions = array<i32: 0>} : vector<16xi32>
      %parallel_loop3A_59 = arith.subi %parallel_loop3A_57, %parallel_loop3A_58 : vector<16xi32>
      %parallel_loop3A_60 = tpu.dynamic_gather %parallel_loop3A_55[%parallel_loop3A_59] in [0] : vector<16xi32>, vector<16xi32> -> vector<16xi32>
      %parallel_loop3A_61 = arith.constant true
      %parallel_loop3A_62 = vector.broadcast %parallel_loop3A_61 : i1 to vector<16xi1>
      %parallel_loop3A_63 = arith.constant -2147483648 : i32
      %parallel_loop3A_64 = vector.broadcast %parallel_loop3A_63 : i32 to vector<16xi32>
      %parallel_loop3A_65 = arith.xori %parallel_loop3A_60, %parallel_loop3A_64 : vector<16xi32>
      %parallel_loop3A_66 = tpu.scan <max>, %parallel_loop3A_65 masked %parallel_loop3A_62 : vector<16xi32>, vector<16xi1> -> vector<16xi32>
      %parallel_loop3A_67 = arith.xori %parallel_loop3A_66, %parallel_loop3A_64 : vector<16xi32>
      %parallel_loop3A_68 = arith.constant 15 : i32
      %parallel_loop3A_69 = vector.broadcast %parallel_loop3A_68 : i32 to vector<16xi32>
      %parallel_loop3A_70 = tpu.iota {dimensions = array<i32: 0>} : vector<16xi32>
      %parallel_loop3A_71 = arith.subi %parallel_loop3A_69, %parallel_loop3A_70 : vector<16xi32>
      %parallel_loop3A_72 = tpu.dynamic_gather %parallel_loop3A_67[%parallel_loop3A_71] in [0] : vector<16xi32>, vector<16xi32> -> vector<16xi32>
      %parallel_loop3A_73 = arith.maxsi %parallel_loop3A_72, %parallel_loop3A_30 : vector<16xi32>
      %parallel_loop3A_74 = arith.constant 8 : i32
      %parallel_loop3A_75 = vector.broadcast %parallel_loop3A_74 : i32 to vector<16xi32>
      %parallel_loop3A_76 = arith.subi %parallel_loop3A_75, %parallel_loop3A_73 : vector<16xi32>
      %parallel_loop3A_77 = arith.constant 4096 : i32
      %parallel_loop3A_78 = vector.broadcast %parallel_loop3A_77 : i32 to vector<16xi32>
      %parallel_loop3A_79 = arith.minsi %parallel_loop3A_76, %parallel_loop3A_78 : vector<16xi32>
      %parallel_loop3A_80 = arith.index_cast %parallel_loop3A_35 : i32 to index
      %parallel_loop3A_81 = tpu.vector_load %arg4[%parallel_loop3A_80] {strides = array<i32>} : memref<4096xi32, #tpu.memory_space<vmem>>, vector<16xi32>,
      tpu.vector_store %arg4[%parallel_loop3A_80], %parallel_loop3A_79 {strides = array<i32>} : memref<4096xi32, #tpu.memory_space<vmem>>, vector<16xi32>,
      %parallel_loop3A_82 = vector.shape_cast %broadcast_in_dim3A_1 : vector<16x1xi32> to vector<16xi32>
      %parallel_loop3A_83 = tpu.dynamic_gather %parallel_loop3A_73[%parallel_loop3A_82] in [0] : vector<16xi32>, vector<16xi32> -> vector<16xi32>
      %parallel_loop3A_84 = vector.shape_cast %broadcast_in_dim3A_1 : vector<16x1xi32> to vector<16xi32>
      %parallel_loop3A_85 = tpu.dynamic_gather %parallel_loop3A_39[%parallel_loop3A_84] in [0] : vector<16xf32>, vector<16xi32> -> vector<16xf32>
      scf.yield %parallel_loop3A_83, %parallel_loop3A_85 : vector<16xi32>, vector<16xf32>
    } {sc.loop_unroll_factor = 4 : i64, sc.parallel_access}
    %broadcast_in_dim3A_21 = arith.constant 0 : i32
    %broadcast_in_dim3A_22 = vector.broadcast %broadcast_in_dim3A_21 : i32 to vector<16xi32>
    %broadcast_in_dim3A_23 = arith.constant 0.000000e+00 : f32
    %broadcast_in_dim3A_24 = vector.broadcast %broadcast_in_dim3A_23 : f32 to vector<16xf32>
    %parallel_loop3A_25 = arith.constant 0 : i32
    %parallel_loop3A_26 = arith.constant 256 : i32
    %parallel_loop3A_27 = arith.constant 1 : i32
    %parallel_loop3A_28:2 = scf.for %parallel_loop3A_29 = %parallel_loop3A_25 to %parallel_loop3A_26 step %parallel_loop3A_27 iter_args(%parallel_loop3A_30 = %broadcast_in_dim3A_22, %parallel_loop3A_31 = %broadcast_in_dim3A_24) -> (vector<16xi32>, vector<16xf32>)  : i32 {
      %parallel_loop3A_32 = arith.constant 16 : i32
      %parallel_loop3A_33 = arith.muli %parallel_loop3A_29, %parallel_loop3A_32 : i32
      %parallel_loop3A_34 = arith.constant 0 : i32
      %parallel_loop3A_35 = arith.index_cast %parallel_loop3A_34 : i32 to index
      %parallel_loop3A_36 = arith.index_cast %parallel_loop3A_33 : i32 to index
      %parallel_loop3A_37 = tpu.vector_load %arg6[%parallel_loop3A_35, %parallel_loop3A_36] {strides = array<i32>} : memref<2x4096xf32, #tpu.memory_space<vmem>>, vector<16xf32>,
      %parallel_loop3A_38 = arith.constant 0 : i32
      %parallel_loop3A_39 = vector.broadcast %parallel_loop3A_38 : i32 to vector<16xi32>
      %parallel_loop3A_40 = arith.cmpi eq, %iota3A, %parallel_loop3A_39 : vector<16xi32>
      %parallel_loop3A_41 = vector.shape_cast %broadcast_in_dim3A_13 : vector<16x1xi32> to vector<16xi32>
      %parallel_loop3A_42 = tpu.dynamic_gather %parallel_loop3A_37[%parallel_loop3A_41] in [0] : vector<16xf32>, vector<16xi32> -> vector<16xf32>
      %parallel_loop3A_43 = arith.select %parallel_loop3A_40, %parallel_loop3A_31, %parallel_loop3A_42 : vector<16xi1>, vector<16xf32>
      %parallel_loop3A_44 = arith.cmpf ogt, %parallel_loop3A_37, %parallel_loop3A_43 : vector<16xf32>
      %parallel_loop3A_45 = arith.index_cast %parallel_loop3A_33 : i32 to index
      %parallel_loop3A_46 = tpu.vector_load %arg4[%parallel_loop3A_45] {strides = array<i32>} : memref<4096xi32, #tpu.memory_space<vmem>>, vector<16xi32>,
      %parallel_loop3A_47 = arith.constant 0 : i32
      %parallel_loop3A_48 = vector.broadcast %parallel_loop3A_47 : i32 to vector<16xi32>
      %parallel_loop3A_49 = arith.select %parallel_loop3A_44, %parallel_loop3A_46, %parallel_loop3A_48 : vector<16xi1>, vector<16xi32>
      %parallel_loop3A_50 = arith.constant true
      %parallel_loop3A_51 = vector.broadcast %parallel_loop3A_50 : i1 to vector<16xi1>
      %parallel_loop3A_52 = arith.constant -2147483648 : i32
      %parallel_loop3A_53 = vector.broadcast %parallel_loop3A_52 : i32 to vector<16xi32>
      %parallel_loop3A_54 = arith.xori %parallel_loop3A_49, %parallel_loop3A_53 : vector<16xi32>
      %parallel_loop3A_55 = tpu.scan <max>, %parallel_loop3A_54 masked %parallel_loop3A_51 : vector<16xi32>, vector<16xi1> -> vector<16xi32>
      %parallel_loop3A_56 = arith.xori %parallel_loop3A_55, %parallel_loop3A_53 : vector<16xi32>
      %parallel_loop3A_57 = arith.maxsi %parallel_loop3A_56, %parallel_loop3A_30 : vector<16xi32>
      %parallel_loop3A_58 = vector.broadcast %parallel_loop3A_33 : i32 to vector<16xi32>
      %parallel_loop3A_59 = arith.addi %parallel_loop3A_58, %iota3A : vector<16xi32>
      %parallel_loop3A_60 = arith.cmpi sgt, %parallel_loop3A_57, %parallel_loop3A_59 : vector<16xi32>
      %parallel_loop3A_61 = arith.constant 1.000000e+00 : f32
      %parallel_loop3A_62 = arith.constant 0.000000e+00 : f32
      %parallel_loop3A_63 = vector.broadcast %parallel_loop3A_61 : f32 to vector<16xf32>
      %parallel_loop3A_64 = vector.broadcast %parallel_loop3A_62 : f32 to vector<16xf32>
      %parallel_loop3A_65 = arith.select %parallel_loop3A_60, %parallel_loop3A_63, %parallel_loop3A_64 : vector<16xi1>, vector<16xf32>
      %parallel_loop3A_66 = arith.index_cast %parallel_loop3A_33 : i32 to index
      %parallel_loop3A_67 = tpu.vector_load %arg5[%parallel_loop3A_66] {strides = array<i32>} : memref<4096xf32, #tpu.memory_space<vmem>>, vector<16xf32>,
      tpu.vector_store %arg5[%parallel_loop3A_66], %parallel_loop3A_65 {strides = array<i32>} : memref<4096xf32, #tpu.memory_space<vmem>>, vector<16xf32>,
      %parallel_loop3A_68 = vector.shape_cast %broadcast_in_dim3A_3 : vector<16x1xi32> to vector<16xi32>
      %parallel_loop3A_69 = tpu.dynamic_gather %parallel_loop3A_57[%parallel_loop3A_68] in [0] : vector<16xi32>, vector<16xi32> -> vector<16xi32>
      %parallel_loop3A_70 = vector.shape_cast %broadcast_in_dim3A_3 : vector<16x1xi32> to vector<16xi32>
      %parallel_loop3A_71 = tpu.dynamic_gather %parallel_loop3A_37[%parallel_loop3A_70] in [0] : vector<16xf32>, vector<16xi32> -> vector<16xf32>
      scf.yield %parallel_loop3A_69, %parallel_loop3A_71 : vector<16xi32>, vector<16xf32>
    } {sc.loop_unroll_factor = 4 : i64, sc.parallel_access}
    "tpu.region"() ({
      %run_scoped3A = tpu.sem_alloc : memref<!tpu.dma_semaphore, #tpu.memory_space<semaphore_mem>>
      %dma_start3A = arith.constant 0 : i32
      %dma_start3A_29 = tpu.memref_slice %arg3[%arg1, %arg0, %dma_start3A] : memref<16x2x4096xf32, #tpu.memory_space<hbm>> -> memref<1x1x4096xf32, #tpu.memory_space<hbm>>
      %dma_start3A_30 = tpu.memref_squeeze %dma_start3A_29 : memref<1x1x4096xf32, #tpu.memory_space<hbm>> -> memref<4096xf32, #tpu.memory_space<hbm>>
      %dma_start3A_31 = arith.constant 0 : i32
      %dma_start3A_32 = tpu.memref_slice %arg3[%arg1, %arg0, %dma_start3A_31] : memref<16x2x4096xf32, #tpu.memory_space<hbm>> -> memref<1x1x4096xf32, #tpu.memory_space<hbm>>
      %dma_start3A_33 = tpu.memref_squeeze %dma_start3A_32 : memref<1x1x4096xf32, #tpu.memory_space<hbm>> -> memref<4096xf32, #tpu.memory_space<hbm>>
      tpu.enqueue_dma source(%arg5 : memref<4096xf32, #tpu.memory_space<vmem>>) target(%dma_start3A_33 : memref<4096xf32, #tpu.memory_space<hbm>>) target_semaphore(%run_scoped3A : memref<!tpu.dma_semaphore, #tpu.memory_space<semaphore_mem>>)
      %dma_wait3A = arith.constant 0 : i32
      %dma_wait3A_34 = tpu.memref_slice %arg3[%arg1, %arg0, %dma_wait3A] : memref<16x2x4096xf32, #tpu.memory_space<hbm>> -> memref<1x1x4096xf32, #tpu.memory_space<hbm>>
      %dma_wait3A_35 = tpu.memref_squeeze %dma_wait3A_34 : memref<1x1x4096xf32, #tpu.memory_space<hbm>> -> memref<4096xf32, #tpu.memory_space<hbm>>
      %dma_wait3A_36 = arith.constant 0 : i32
      %dma_wait3A_37 = tpu.memref_slice %arg3[%arg1, %arg0, %dma_wait3A_36] : memref<16x2x4096xf32, #tpu.memory_space<hbm>> -> memref<1x1x4096xf32, #tpu.memory_space<hbm>>
      %dma_wait3A_38 = tpu.memref_squeeze %dma_wait3A_37 : memref<1x1x4096xf32, #tpu.memory_space<hbm>> -> memref<4096xf32, #tpu.memory_space<hbm>>
      tpu.wait_dma2 semaphore(%run_scoped3A : memref<!tpu.dma_semaphore, #tpu.memory_space<semaphore_mem>>) src(%arg5 : memref<4096xf32, #tpu.memory_space<vmem>>) dst(%dma_wait3A_38 : memref<4096xf32, #tpu.memory_space<hbm>>)
      tpu.yield
    }) : () -> ()
    return
  }
}

</mosaic_0001>

<sc_bundles>
// kernel: _run.3.cloned.1.call-start
scs
__scs_entry_jumppad:
0x0: {  	(pc) =	sbr.rel $0x88, $3  }
0x1: {  	(tag) =	ssettag $0x0;
	lr =	simm.s32 $0x1  }
0x2: {  	[smem:$0x3FA0] =	sst lr;
	_ =	strace $0xD0000000  }
0x3: {  	_ = 	snop  }
0x4: {  	_ = 	snop  }
0x5: {  	_ = 	snop  }
0x6: {  	_ = 	snop  }
0x7: {  	_ = 	snop  }
__scs_overlays_trampoline_lowered:
0x8: {  	[smem:$0x3FAF] =	sst s0  }
0x9: {  	[smem:$0x3FB0] =	sst s1  }
0xa: {  	[smem:$0x3FB1] =	sst s2  }
0xb: {  	[smem:$0x3FB2] =	sst s3  }
0xc: {  	[smem:$0x3FB3] =	sst s4  }
0xd: {  	[smem:$0x3FB4] =	sst s5  }
0xe: {  	[smem:$0x3FB5] =	sst s6  }
0xf: {  	[smem:$0x3FB6] =	sst s7  }
0x10: {  	[smem:$0x3FB7] =	sst s8  }
0x11: {  	[smem:$0x3FB8] =	sst s9;
	s0 =	simm.s32 @!p0 $0x0  }
0x12: {  	s1 =	sld [smem:$0x3F9E];
	s0 =	simm.s32 @p0 $0x1  }
0x13: {  	[smem:$0x3FB9] =	sst s0;
	s0 =	simm.s32 @!p1 $0x0  }
0x14: {  	s2 =	sld [smem:$0x3F9D];
	s0 =	simm.s32 @p1 $0x1  }
0x15: {  	[smem:$0x3FBA] =	sst s0;
	s0 =	simm.s32 @!p2 $0x0  }
0x16: {  	s3 =	sld [smem:$0x3FDB];
	s0 =	simm.s32 @p2 $0x1  }
0x17: {  	s4 =	simm.s32 $0x1BF5;
	[smem:$0x3FBC] =	sst s0  }
0x18: {  	s0 =	sld [smem:$0x3F9F];
	_ =	swait.ge [sflag:s4], $0x0  }
0x19: {  	s7 =	sld [smem:$0x3FA0]  }
0x1a: {  	s8 =	sadd.s32 $0xFFFFE003, lr  }
0x1b: {  	s9 =	sadd.s32 $0xFFFFFEF7, lr;
	s5 =	simm.s32 $0xFFFFFFFF;
	p2 =	slt.u32 s8, $0xFFFFF086  }
0x1c: {  	p1 =	slt.u32 s9, $0xF7A;
	s5 =	simm.s32 @!p2 $0x0  }
0x1d: {  	s5 =	simm.s32 @p1 $0x1;
	p0 =	seq.s32 s7, s2  }
0x1e: {  	s7 =	smul.u32 @!p0 $0xF7A, s2;
	p2 =	seq.s32 @!p0 s5, $0x0  }
0x1f: {  	s9 =	smul.u32 $0xF7A, s1;
	s8 =	simm.s32 @!p0 $0x1BF5;
	p2 =	por !p2, p0  }
0x20: {  	[sflag:s8] =	ssyncset.s32 @!p0 $0xFFFFF086;
	s6 =	sadd.s32 @!p0 s3, s7;
	s7 =	simm.s32 @!p0 $0x108  }
0x21: {  	s3 =	sadd.s32 s3, s9;
	s6 =	sadd.s32 @!p0 $0x88, s6;
	s7 =	simm.s32 @p2 $0x1082  }
0x22: {  	[simem:s7], [sflag:s8] =	dma.local @!p0 [hbm:s6], $0xF7A  }
0x23: {  	s9 =	sor.u32 $0xD0000000, s2;
	s6 =	simm.s32 $0x108;
	_ =	swait.ge @!p0 [sflag:s8], $0x0  }
0x24: {  	s3 =	sadd.s32 $0x88, s3;
	s6 =	simm.s32 @!p1 $0x1082;
	[sflag:s4] =	ssyncset.s32 $0xFFFFF086  }
0x25: {  	[simem:s6], [sflag:s4] =	dma.local [hbm:s3], $0xF7A  }
0x26: {  	[smem:$0x3FA0] =	sst s1;
	(tag) =	ssettag s2;
	_ =	strace s9  }
0x27: {  	s1 =	sld [smem:$0x3FB0]  }
0x28: {  	s2 =	sld [smem:$0x3FB1]  }
0x29: {  	s4 =	sld [smem:$0x3FB3]  }
0x2a: {  	p0 =	seq.s32 s5, $0x0;
	s5 =	sld [smem:$0x3FB4]  }
0x2b: {  	s6 =	sld [smem:$0x3FB5]  }
0x2c: {  	s7 =	sld [smem:$0x3FB6]  }
0x2d: {  	s3 =	simm.s32 $0x108;
	s8 =	sld [smem:$0x3FB7]  }
0x2e: {  	s3 =	simm.s32 @!p0 $0x1082;
	s9 =	sld [smem:$0x3FB8]  }
0x2f: {  	lr =	sadd.s32 s0, s3;
	s0 =	sld [smem:$0x3FAF]  }
0x30: {  	s3 =	sld [smem:$0x3FB2]  }
0x31: {  	[smem:$0x3FBB] =	sst s10  }
0x32: {  	s10 =	sld [smem:$0x3FB9];
	_ =	sdelay $0x3  }
0x33: {  	p0 =	seq.s32 s10, $0x1;
	s10 =	sld [smem:$0x3FBB];
	_ =	sdelay $0x3  }
0x34: {  	[smem:$0x3FBB] =	sst s10  }
0x35: {  	s10 =	sld [smem:$0x3FBA];
	_ =	sdelay $0x3  }
0x36: {  	p1 =	seq.s32 s10, $0x1;
	s10 =	sld [smem:$0x3FBB];
	_ =	sdelay $0x3  }
0x37: {  	[smem:$0x3FBB] =	sst s10  }
0x38: {  	s10 =	sld [smem:$0x3FBC]  }
0x39: {  	_ = 	snop;
	(pc) =	sbr.ind lr, $3  }
0x3a: {  	_ = 	snop  }
0x3b: {  	_ = 	snop  }
0x3c: {  	p2 =	seq.s32 s10, $0x1;
	s10 =	sld [smem:$0x3FBB]  }
0x3d: {  	_ =	shalt  }
0x3e: {  	_ =	shalt  }
0x3f: {  	_ =	shalt  }
0x40: {  	_ =	shalt  }
0x41: {  	_ =	shalt  }
0x42: {  	_ =	shalt  }
0x43: {  	_ =	shalt  }
0x44: {  	_ =	shalt  }
0x45: {  	_ =	shalt  }
0x46: {  	_ =	shalt  }
0x47: {  	_ =	shalt  }
0x48: {  	_ =	shalt  }
0x49: {  	_ =	shalt  }
0x4a: {  	_ =	shalt  }
0x4b: {  	_ =	shalt  }
0x4c: {  	_ =	shalt  }
0x4d: {  	_ =	shalt  }
0x4e: {  	_ =	shalt  }
0x4f: {  	_ =	shalt  }
0x50: {  	_ =	shalt  }
0x51: {  	_ =	shalt  }
0x52: {  	_ =	shalt  }
0x53: {  	_ =	shalt  }
0x54: {  	_ =	shalt  }
0x55: {  	_ =	shalt  }
0x56: {  	_ =	shalt  }
0x57: {  	_ =	shalt  }
0x58: {  	_ =	shalt  }
0x59: {  	_ =	shalt  }
0x5a: {  	_ =	shalt  }
0x5b: {  	_ =	shalt  }
0x5c: {  	_ =	shalt  }
0x5d: {  	_ =	shalt  }
0x5e: {  	_ =	shalt  }
0x5f: {  	_ =	shalt  }
0x60: {  	_ =	shalt  }
0x61: {  	_ =	shalt  }
0x62: {  	_ =	shalt  }
0x63: {  	_ =	shalt  }
0x64: {  	_ =	shalt  }
0x65: {  	_ =	shalt  }
0x66: {  	_ =	shalt  }
0x67: {  	_ =	shalt  }
0x68: {  	_ =	shalt  }
0x69: {  	_ =	shalt  }
0x6a: {  	_ =	shalt  }
0x6b: {  	_ =	shalt  }
0x6c: {  	_ =	shalt  }
0x6d: {  	_ =	shalt  }
0x6e: {  	_ =	shalt  }
0x6f: {  	_ =	shalt  }
0x70: {  	_ =	shalt  }
0x71: {  	_ =	shalt  }
0x72: {  	_ =	shalt  }
0x73: {  	_ =	shalt  }
0x74: {  	_ =	shalt  }
0x75: {  	_ =	shalt  }
0x76: {  	_ =	shalt  }
0x77: {  	_ =	shalt  }
0x78: {  	_ =	shalt  }
0x79: {  	_ =	shalt  }
0x7a: {  	_ =	shalt  }
0x7b: {  	_ =	shalt  }
0x7c: {  	_ =	shalt  }
0x7d: {  	_ =	shalt  }
0x7e: {  	_ =	shalt  }
0x7f: {  	_ =	shalt  }
0x80: {  	_ =	shalt  }
0x81: {  	_ =	shalt  }
0x82: {  	_ =	shalt  }
0x83: {  	_ =	shalt  }
0x84: {  	_ =	shalt  }
0x85: {  	_ =	shalt  }
0x86: {  	_ =	shalt  }
0x87: {  	_ =	shalt  }
.Lfunc_end0:
.L_simem_size_0:
called_computation_lowered:
.L_overlay_start_0:
0x88: {  	s2 =	sld [smem:$0x3FD9]  }
0x89: {  	s3 =	sld [smem:$0x3FFE];
	_ =	sdelay $0x1  }
0x8a: {  	s1 =	srdreg.scid  }
0x8b: {  	s0 =	sand.u32 $0x1, s1  }
0x8c: {  	s18 =	sshll.u32 s0, $0xA;
	s2 =	sadd.s32 s3, s2  }
0x8d: {  	s2 =	sadd.s32 s2, s18  }
0x8e: {  	[smem:$0x3FC7] =	sst s2  }
0x8f: {  	_ = 	snop  }
0x90: {  	s2 =	sld [smem:$0x3FC9]  }
0x91: {  	s19 =	sld [smem:$0x3FD0];
	(tm) =	ssettm $0x1  }
0x92: {  	s4 =	sld [smem:$0x3FFB];
	_ =	sdelay $0x3  }
0x93: {  	_ =	strace s4  }
0x94: {  	s4 =	sld [smem:$0x3FFC];
	_ =	sdelay $0x3  }
0x95: {  	_ =	strace s4  }
0x96: {  	s4 =	sld [smem:$0x3FFD];
	_ =	sdelay $0x3  }
0x97: {  	_ =	strace s4  }
0x98: {  	_ =	strace $0x8FFFFFFF  }
0x99: {  	s20 =	sld [smem:$0x3FDB];
	_ =	sdelay $0x1  }
0x9a: {  	s5 =	simm.s32 $_scs_section_size  }
0x9b: {  	s6 =	simm.s32 $_size__tile_overlayer_lowered;
	s7 =	simm.s32 $_tile_overlayer_lowered  }
0x9c: {  	s23 =	simm.s32 $0x1BFF;
	s22 =	sshll.u32 s7, $0x1;
	s4 =	sadd.s32 s5, s20  }
0x9d: {  	s8 =	simm.s32 $0x0;
	s21 =	sshll.u32 s6, $0x1;
	s6 =	sadd.s32 s22, s4  }
0x9e: {  	[timem:s8], [sflag:s23] =	dma.local [hbm:s6], s21  }
0x9f: {  	_ =	swait.ge [sflag:s23], s21  }
0xa0: {  	s5 =	ssub.s32 $0x0, s21;
	[sflag:s23] =	ssyncset.done $0x0  }
0xa1: {  	[sflag:s23] =	ssyncadd.s32 s5;
	_ =	sdelay $0x1  }
0xa2: {  	s24 =	simm.s32 $0x1B8B  }
0xa3: {  	_ =	swait.ge [sflag:s24], $0x1  }
0xa4: {  	[sflag:s24] =	ssyncset.done $0x0  }
0xa5: {  	s25 =	simm.s32 $0x1B8E;
	[sflag:s24] =	ssyncadd.s32 $0xFFFFFFFF  }
0xa6: {  	s26 =	simm.s32 $execute0_lowered;
	[smem:$0x3FD2] =	sst s25  }
0xa7: {  	s5 =	sshll.u32 s26, $0x1;
	_ =	strace $0x80000046;
	[dreg:$0x1] =	wrdreg $0xFFFFFFFF  }
0xa8: {  	s28 =	simm.s32 $_size_execute0_lowered;
	s4 =	sadd.s32 s4, s5;
	[dreg:$0x0] =	wrdreg $0x0  }
0xa9: {  	s5 =	sshll.u32 s28, $0x1;
	[dreg:$0x2] =	wrdreg s4  }
0xaa: {  	[dreg:$0x3] =	wrdreg s5  }
0xab: {  	[dreg:$0x4] =	wrdreg $0xC0  }
0xac: {  	_ =	task [dreg:s8], $0x5FFFF  }
0xad: {  	[dreg:$0x1] =	wrdreg $0xFFFFFFFF  }
0xae: {  	[dreg:$0x0] =	wrdreg $0x60  }
0xaf: {  	[dreg:$0x2] =	wrdreg s2  }
0xb0: {  	[dreg:$0x3] =	wrdreg s19  }
0xb1: {  	[dreg:$0x4] =	wrdreg $0x9  }
0xb2: {  	_ =	task.clear_ibuf [dreg:s8], $0x5FFFF;
	_ =	strace $0x90000046  }
0xb3: {  	s29 =	simm.s32 $0x9;
	_ =	strace $0x80000048  }
0xb4: {  	_ =	swait.ge [sflag:s29], $0x1  }
0xb5: {  	[sflag:s29] =	ssyncadd.s32 $0xFFFFFFFF  }
0xb6: {  	_ =	strace $0x90000048  }
0xb7: {  	_ =	sfence  }
0xb8: {  	s30 =	sld [smem:$0x0];
	_ =	sdelay $0x2  }
0xb9: {  	s31 =	sshll.u32 s1, $0xD;
	s1 =	sshrl.u32 s1, $0x2  }
0xba: {  	s3 =	sand.u32 $0x4000, s31;
	s1 =	sadd.s32 s1, s30  }
0xbb: {  	s0 =	sor.u32 s3, s0;
	s1 =	sshll.u32 s1, $0x11  }
0xbc: {  	s0 =	sor.u32 s1, s0  }
0xbd: {  	s0 =	sadd.s32 $0x8F2B, s0  }
0xbe: {  	[sflag:s0] =	ssyncadd.remote.s32 $0x1  }
0xbf: {  	_ =	sfence.sel $0xFFFF  }
0xc0: {  	[dreg:$0x0] =	wrdreg $0xFFFFFFFF;
	(pc) =	sbr.abs _section_cstart, $3  }
0xc1: {  	[dreg:$0x1] =	wrdreg $0xFFFFFFFF  }
0xc2: {  	_ =	task.clear_ibuf [dreg:s8], $0x2FFFF;
	_ =	strace $0x9FFFFFFF  }
0xc3: {  	(tm) =	ssettm $0x7FFFFFFF  }
tec
execute0_lowered:
.L_overlay_start_1:
0x0: {  	(tag) =	ssettag $0x1  }
0x1: {  	s3 =	rddreg [dreg:$0x0]  }
0x2: {  	v0 =	vimm.s32 $0xFFEDCBA9;
	s0 =	srdreg.scid;
	v1 =	vimm.s32 $0x87654321;
	s4 =	rddreg [dreg:$0x1]  }
0x3: {  	s1 =	simm.s32 $0x0;
	s2 =	stileid.u32;
	s9 =	simm.s32 $0x1;
	v0 =	vunpack.c.l.s4.s8 v0;
	v1 =	vunpack.c.l.s4.s8 v1  }
0x4: {  	v2 =	vimm.s32 $0xEDCBA987;
	v3 =	vimm.s32 $0x65432100;
	s10 =	simm.s32 $0x80;
	s5 =	sand.u32 $0x1, s0;
	s0 =	rddreg [dreg:$0x2]  }
0x5: {  	s11 =	simm.s32 $0x1000;
	[smem:$0x7FF] =	sst s1;
	v2 =	vunpack.c.l.s4.s8 v2;
	s30 =	sshll.u32 s2, $0xB;
	v0 =	vunpack.c.0.s8.s32 v0;
	v1 =	vunpack.c.0.s8.s32 v1  }
0x6: {  	vm0 =	vmmov $0x7fff;
	v3 =	vunpack.c.l.s4.s8 v3;
	s31 =	sshll.u32 s2, $0xA;
	s6 =	ssub.s32 $0x2, s5;
	_ =	strace $0x80000047  }
0x7: {  	s8 =	sshll.u32 s5, $0x5;
	s5 =	sshll.u32 s5, $0x4;
	s7 =	sshrl.u32 s6, $0x1;
	v5 =	vunpack.c.0.s8.s32 v2;
	v4 =	vcombine.low v1, v0;
	v0 =	vlaneseq.u32  }
0x8: {  	vm1 =	vmmov $0x1;
	s3 =	sadd.s32 s3, s8;
	s4 =	sadd.s32 s4, s5;
	v6 =	vunpack.c.0.s8.s32 v3;
	s8 =	simm.s32 $0x2000;
	v1 =	vmul.u32 $0xFFFFFFFF, v0  }
0x9: {  	s6 =	ssub.s32 s6, s7;
	s3 =	sadd.s32 s30, s3;
	s4 =	sadd.s32 s31, s4;
	v2 =	vand.u32 $0xF, v4;
	v4 =	vand.u32 $0xF, v5;
	v5 =	vimm.f32 $0.0e+00  }
0xa: {  	s7 =	simm.s32 $0x200;
	s5 =	smax.u32 s6, $0x1;
	s6 =	simm.s32 $0x100;
	v3 =	vadd.s32 $0xF, v1;
	v4 =	vcombine.low v6, v4;
	v6 =	vimm.s32 $0xF  }
.LBB2_1:
0xb: {  	[tilespmem:s8], [sflag:$0x1] =	stream.strided.gather [hbm4b:s3+s6], $0x2000, s7, s6, $0x38;
	[tilespmem:$0x4000] =	vst v63  }
0xc: {  	s13 =	simm.s32 $0x7F80  }
0xd: {  	s12 =	simm.s32 $0xFF0;
	_ =	swait.ge [sflag:s9], $0x2000;
	s13 =	sand.u32 $0x7C00, s13  }
0xe: {  	s14 =	sand.u32 $0x70, s12;
	[sflag:s9] =	ssyncset.done $0x0;
	s13 =	sshrl.u32 s13, $0x2  }
0xf: {  	[sflag:s9] =	ssyncadd.s32 $0xFFFFE000;
	s13 =	sor.u32 s14, s13  }
0x10: {  	v8 =	vld [tilespmem:s13+$0x2080]  }
0x11: {  	s28 =	simm.s32 $0x7F00  }
0x12: {  	s29 =	simm.s32 $0xFE0;
	s13 =	sand.u32 $0x7C00, s28  }
0x13: {  	s14 =	sand.u32 $0x60, s29;
	s13 =	sshrl.u32 s13, $0x2  }
0x14: {  	s13 =	sor.u32 s14, s13  }
0x15: {  	s30 =	simm.s32 $0x7E80;
	v9 =	vld [tilespmem:s13+$0x2080];
	v7 =	vperm.xlane v8, v2  }
0x16: {  	s15 =	simm.s32 $0xFD0;
	s13 =	sand.u32 $0x7C00, s30  }
0x17: {  	s31 =	simm.s32 $0xFFFFF00F;
	s16 =	sand.u32 $0x50, s15;
	s13 =	sshrl.u32 s13, $0x2;
	v10 =	vsel vm0, v7, v5  }
0x18: {  	v11 =	vadd.s32 s31, v1;
	s13 =	sor.u32 s16, s13;
	v7 =	vimm.s32 $0x0;
	vm2 =	vgt.f32 v10, v8  }
0x19: {  	s17 =	simm.s32 $0x7E00;
	v8 =	vperm.xlane v8, v7;
	v10 =	vnsel vm2, $0xFFFFEFF6, v11;
	v11 =	vld [tilespmem:s13+$0x2080]  }
0x1a: {  	s18 =	simm.s32 $0xFC0;
	s14 =	sand.u32 $0x7C00, s17;
	v12 =	vperm.xlane v9, v2;
	v10 =	vperm.xlane v10, v3  }
0x1b: {  	s14 =	sshrl.u32 s14, $0x2;
	s13 =	sand.u32 $0x40, s18  }
0x1c: {  	s19 =	simm.s32 $0xFFFFF01F;
	v8 =	vsel vm0, v12, v8;
	s13 =	sor.u32 s13, s14;
	v10 =	vxor.u32 $0x80000000, v10  }
0x1d: {  	v12 =	vadd.s32 s19, v1;
	vm2 =	vgt.f32 v8, v9;
	v8 =	vperm.xlane v9, v7;
	v9 =	vld [tilespmem:s13+$0x2080];
	(xrf0) =	vmax.scan.msk.u32 $0xffff, v10  }
0x1e: {  	v10 =	vnsel vm2, $0xFFFFEFF6, v12;
	v12 =	vperm.xlane v11, v2  }
0x1f: {  	s20 =	simm.s32 $0x7D80;
	v10 =	vperm.xlane v10, v3  }
0x20: {  	s22 =	simm.s32 $0xFB0;
	s13 =	sand.u32 $0x7C00, s20;
	v8 =	vsel vm0, v12, v8  }
0x21: {  	s21 =	simm.s32 $0xFFFFF02F;
	s23 =	sand.u32 $0x70, s22;
	s13 =	sshrl.u32 s13, $0x2;
	v10 =	vxor.u32 $0x80000000, v10;
	vm2 =	vgt.f32 v8, v11  }
0x22: {  	s13 =	sor.u32 s23, s13;
	v8 =	vadd.s32 s21, v1;
	(xrf0) =	vmax.scan.msk.u32 $0xffff, v10;
	v10 =	vperm.xlane v11, v7;
	v11 =	vperm.xlane v9, v2  }
0x23: {  	v13 =	vld [tilespmem:s13+$0x2080];
	v8 =	vnsel vm2, $0xFFFFEFF6, v8;
	v12, _, _ =	vpop (xrf0)  }
0x24: {  	s25 =	simm.s32 $0xFFFFF03F;
	v8 =	vperm.xlane v8, v3;
	v10 =	vsel vm0, v11, v10;
	v12 =	vxor.u32 $0x80000000, v12  }
0x25: {  	s24 =	simm.s32 $0x7D00;
	vm2 =	vgt.f32 v10, v9;
	v11 =	vperm.xlane v12, v3;
	v12 =	vadd.s32 s25, v1  }
0x26: {  	v14 =	vimm.s32 $0xFFFFEFF6;
	s26 =	simm.s32 $0xFA0;
	s13 =	sand.u32 $0x7C00, s24;
	v8 =	vxor.u32 $0x80000000, v8;
	v10 =	vnsel vm2, $0xFFFFEFF6, v12  }
0x27: {  	s28 =	sand.u32 $0x60, s26;
	s13 =	sshrl.u32 s13, $0x2;
	v9 =	vperm.xlane v9, v7;
	(xrf0) =	vmax.scan.msk.u32 $0xffff, v8;
	vm2 =	vgt.s32 v11, v14  }
0x28: {  	s13 =	sor.u32 s28, s13;
	v8 =	vperm.xlane v10, v3;
	v11 =	vsel vm2, v11, v14;
	v14 =	vperm.xlane v13, v2  }
0x29: {  	s29 =	simm.s32 $0x7C80;
	v12 =	vld [tilespmem:s13+$0x2080];
	v10, _, _ =	vpop (xrf0);
	v15 =	vperm.xlane v11, v7  }
0x2a: {  	s31 =	simm.s32 $0xFFFFF04F;
	s30 =	simm.s32 $0xF90;
	s13 =	sand.u32 $0x7C00, s29;
	v8 =	vxor.u32 $0x80000000, v8;
	v10 =	vxor.u32 $0x80000000, v10;
	v9 =	vsel vm0, v14, v9  }
0x2b: {  	s14 =	sand.u32 $0x50, s30;
	s13 =	sshrl.u32 s13, $0x2;
	(xrf0) =	vmax.scan.msk.u32 $0xffff, v8;
	v8 =	vadd.s32 s31, v1;
	v10 =	vperm.xlane v10, v3;
	vm3 =	vgt.f32 v9, v13  }
0x2c: {  	s13 =	sor.u32 s14, s13;
	v8 =	vnsel vm3, $0xFFFFEFF6, v8  }
0x2d: {  	v14 =	vld [tilespmem:s13+$0x2080];
	v13 =	vperm.xlane v13, v7;
	vm2 =	vgt.s32 v10, v15;
	v9, _, _ =	vpop (xrf0);
	v8 =	vperm.xlane v8, v3  }
0x2e: {  	s16 =	simm.s32 $0x7C00;
	v16 =	vperm.xlane v12, v2;
	v10 =	vsel vm2, v10, v15;
	v9 =	vxor.u32 $0x80000000, v9  }
0x2f: {  	s17 =	simm.s32 $0xFFFFF05F;
	s18 =	simm.s32 $0xF80;
	s13 =	sand.u32 $0x7C00, s16;
	v15 =	vperm.xlane v10, v7;
	v9 =	vperm.xlane v9, v3;
	v8 =	vxor.u32 $0x80000000, v8  }
0x30: {  	s19 =	sand.u32 $0x40, s18;
	s13 =	sshrl.u32 s13, $0x2;
	v13 =	vsel vm0, v16, v13;
	v16 =	vadd.s32 s17, v1  }
0x31: {  	s13 =	sor.u32 s19, s13;
	vm2 =	vgt.f32 v13, v12;
	v12 =	vperm.xlane v12, v7;
	(xrf0) =	vmax.scan.msk.u32 $0xffff, v8;
	vm3 =	vgt.s32 v9, v15  }
0x32: {  	v13 =	vnsel vm2, $0xFFFFEFF6, v16;
	v16 =	vperm.xlane v14, v2;
	v8, _, _ =	vpop (xrf0);
	v9 =	vsel vm3, v9, v15;
	v15 =	vld [tilespmem:s13+$0x2080]  }
0x33: {  	v13 =	vperm.xlane v13, v3;
	v8 =	vxor.u32 $0x80000000, v8  }
0x34: {  	s20 =	simm.s32 $0xFFFFF06F;
	v12 =	vsel vm0, v16, v12;
	v17 =	vperm.xlane v9, v7;
	v8 =	vperm.xlane v8, v3  }
0x35: {  	v13 =	vxor.u32 $0x80000000, v13;
	vm2 =	vgt.f32 v12, v14;
	v12 =	vadd.s32 s20, v1  }
0x36: {  	(xrf0) =	vmax.scan.msk.u32 $0xffff, v13;
	v12 =	vnsel vm2, $0xFFFFEFF6, v12;
	vm3 =	vgt.s32 v8, v17  }
0x37: {  	v13 =	vperm.xlane v14, v7;
	v16, _, _ =	vpop (xrf0);
	v8 =	vsel vm3, v8, v17;
	v14 =	vperm.xlane v15, v2  }
0x38: {  	s23 =	simm.s32 $0xFFFFF07F;
	s21 =	simm.s32 $0x7B80;
	v12 =	vperm.xlane v12, v3;
	v16 =	vxor.u32 $0x80000000, v16;
	v17 =	vperm.xlane v8, v7  }
0x39: {  	s22 =	sand.u32 $0x7C00, s21;
	s13 =	simm.s32 $0xF70;
	v13 =	vsel vm0, v14, v13;
	v14 =	vperm.xlane v16, v3;
	v16 =	vadd.s32 s23, v1  }
0x3a: {  	s14 =	sshrl.u32 s22, $0x2;
	s16 =	sand.u32 $0x70, s13;
	v12 =	vxor.u32 $0x80000000, v12;
	vm3 =	vgt.f32 v13, v15  }
0x3b: {  	s24 =	simm.s32 $0x7B00;
	s14 =	sor.u32 s16, s14;
	(xrf0) =	vmax.scan.msk.u32 $0xffff, v12;
	v12 =	vnsel vm3, $0xFFFFEFF6, v16;
	vm3 =	vgt.s32 v14, v17  }
0x3c: {  	s25 =	simm.s32 $0xF60;
	v11 =	vsub.s32 $0x8, v11;
	v9 =	vsub.s32 $0x8, v9;
	v13 =	vld [tilespmem:s14+$0x2080];
	s14 =	sand.u32 $0x7C00, s24;
	v16, _, _ =	vpop (xrf0);
	v14 =	vsel vm3, v14, v17  }
0x3d: {  	s15 =	sand.u32 $0x60, s25;
	s14 =	sshrl.u32 s14, $0x2;
	v12 =	vperm.xlane v12, v3;
	v16 =	vxor.u32 $0x80000000, v16;
	v17 =	vperm.xlane v14, v7  }
0x3e: {  	v10 =	vsub.s32 $0x8, v10;
	vm4 =	vlt.s32 v9, $0x1000;
	s14 =	sor.u32 s15, s14;
	v16 =	vperm.xlane v16, v3  }
0x3f: {  	vm2 =	vlt.s32 v11, $0x1000;
	v18 =	vnsel vm4, $0x1000, v9;
	v9 =	vxor.u32 $0x80000000, v12;
	v12 =	vld [tilespmem:s14+$0x2080]  }
0x40: {  	v8 =	vsub.s32 $0x8, v8;
	v15 =	vperm.xlane v15, v7;
	vm15 =	vgt.s32 v16, v17  }
0x41: {  	vm3 =	vlt.s32 v8, $0x1000;
	(xrf0) =	vmax.scan.msk.u32 $0xffff, v9;
	v9 =	vsel vm15, v16, v17;
	v16 =	vperm.xlane v13, v2;
	v17, _, _ =	vpop (xrf0)  }
0x42: {  	s26 =	simm.s32 $0x7A80;
	v19 =	vnsel vm3, $0x1000, v8;
	vm3 =	vlt.s32 v10, $0x1000;
	v8 =	vxor.u32 $0x80000000, v17  }
0x43: {  	s28 =	simm.s32 $0xF50;
	s14 =	sand.u32 $0x7C00, s26;
	v15 =	vsel vm0, v16, v15;
	v16 =	vperm.xlane v9, v7;
	v17 =	vperm.xlane v8, v3  }
0x44: {  	v11 =	vnsel vm2, $0x1000, v11;
	s15 =	sand.u32 $0x50, s28;
	v10 =	vnsel vm3, $0x1000, v10;
	s29 =	sshrl.u32 s14, $0x2;
	v20 =	vperm.xlane v12, v2  }
0x45: {  	s14 =	simm.s32 $0xFFFFF08F;
	s15 =	sor.u32 s15, s29;
	vm2 =	vgt.f32 v15, v13;
	v15 =	vperm.xlane v13, v7;
	vm3 =	vgt.s32 v17, v16  }
0x46: {  	s30 =	simm.s32 $0xFFFFF09F;
	v8 =	vsub.s32 $0x8, v14;
	v13 =	vld [tilespmem:s15+$0x2080];
	s15 =	simm.s32 $0x7A00;
	v14 =	vsel vm3, v17, v16;
	v16 =	vadd.s32 s14, v1  }
0x47: {  	s31 =	simm.s32 $0xF40;
	[tilespmem:s12+$0xFFFFFFD0] =	vst v19;
	v19 =	vadd.s32 s30, v1;
	s17 =	sand.u32 $0x7C00, s15;
	v15 =	vsel vm0, v20, v15;
	v16 =	vnsel vm2, $0xFFFFEFF6, v16;
	v17, _, _ =	vpop (xrf0)  }
0x48: {  	s16 =	sand.u32 $0x40, s31;
	[tilespmem:s12+$0x0] =	vst v11;
	s17 =	sshrl.u32 s17, $0x2;
	vm2 =	vlt.s32 v8, $0x1000;
	v16 =	vperm.xlane v16, v3;
	v17 =	vxor.u32 $0x80000000, v17  }
0x49: {  	[tilespmem:s12+$0xFFFFFFE0] =	vst v18;
	vm3 =	vgt.f32 v15, v12;
	v18 =	vperm.xlane v14, v7;
	s17 =	sor.u32 s16, s17;
	v63 =	vperm.xlane v17, v3  }
0x4a: {  	[tilespmem:s12+$0xFFFFFFF0] =	vst v10;
	v15 =	vperm.xlane v12, v7;
	v12 =	vnsel vm3, $0xFFFFEFF6, v19;
	v11 =	vld [tilespmem:s17+$0x2080];
	v10 =	vxor.u32 $0x80000000, v16  }
0x4b: {  	v17 =	vperm.xlane v13, v2;
	v16 =	vperm.xlane v12, v3;
	vm3 =	vgt.s32 v63, v18;
	(xrf0) =	vmax.scan.msk.u32 $0xffff, v10  }
0x4c: {  	s16 =	simm.s32 $0x8;
	v12 =	vsub.s32 $0x8, v14;
	v10 =	vimm.s32 $0x0;
	v14 =	vsel vm3, v63, v18  }
.LBB2_2:
0x4d: {  	s16 =	sadd.s32 $0x4, s16;
	v15 =	vsel vm0, v17, v15;
	s17 =	sadd.s32 $0x20, s14;
	v17 =	vsub.s32 $0x8, v14;
	v14 =	vperm.xlane v14, v10;
	v10 =	vmovc v7  }
0x4e: {  	p0 =	slt.u32 s16, $0xFC;
	v16 =	vxor.u32 $0x80000000, v16;
	vm3 =	vgt.f32 v15, v13;
	v15 =	vadd.s32 s17, v1  }
0x4f: {  	s15 =	sadd.s32 $0xFFFFFE00, s15;
	v13 =	vperm.xlane v13, v10;
	v15 =	vnsel vm3, $0xFFFFEFF6, v15;
	v19 =	vperm.xlane v11, v2;
	(xrf0) =	vmax.scan.msk.u32 $0xffff, v16  }
0x50: {  	s18 =	sadd.s32 $0x30, s14;
	v9 =	vsub.s32 $0x8, v9;
	s17 =	sadd.s32 $0x180, s15;
	vm3 =	vlt.s32 v17, $0x1000;
	v15 =	vperm.xlane v15, v3  }
0x51: {  	s13 =	sadd.s32 $0xFFFFFFC0, s13;
	vm4 =	vlt.s32 v12, $0x1000;
	s17 =	sand.u32 $0x7C00, s17;
	v16 =	vadd.s32 s18, v1;
	v13 =	vsel vm0, v19, v13;
	v18, _, _ =	vpop (xrf0)  }
0x52: {  	s18 =	sand.u32 $0x70, s13;
	s17 =	sshrl.u32 s17, $0x2;
	v18 =	vxor.u32 $0x80000000, v18;
	v15 =	vxor.u32 $0x80000000, v15;
	vm5 =	vgt.f32 v13, v11  }
0x53: {  	s17 =	sor.u32 s18, s17;
	v13 =	vperm.xlane v18, v3;
	v16 =	vnsel vm5, $0xFFFFEFF6, v16;
	(xrf0) =	vmax.scan.msk.u32 $0xffff, v15;
	vm5 =	vlt.s32 v9, $0x1000  }
0x54: {  	s12 =	sadd.s32 $0xFFFFFFC0, s12;
	v12 =	vnsel vm4, $0x1000, v12;
	v17 =	vnsel vm3, $0x1000, v17;
	v15 =	vld [tilespmem:s17+$0x2080];
	s17 =	sadd.s32 $0x100, s15;
	v16 =	vperm.xlane v16, v3  }
0x55: {  	s18 =	sadd.s32 $0xFFFFFFF0, s13;
	v19 =	vnsel vm2, $0x1000, v8;
	v9 =	vnsel vm5, $0x1000, v9;
	s17 =	sand.u32 $0x7C00, s17;
	vm3 =	vgt.s32 v13, v14;
	v18, _, _ =	vpop (xrf0);
	[tilespmem:s12+$0xFFFFFFD0] =	vst v17  }
0x56: {  	s18 =	sand.u32 $0x60, s18;
	s17 =	sshrl.u32 s17, $0x2;
	v13 =	vsel vm3, v13, v14;
	v14 =	vxor.u32 $0x80000000, v18;
	v16 =	vxor.u32 $0x80000000, v16;
	[tilespmem:s12+$0xFFFFFFE0] =	vst v12  }
0x57: {  	s17 =	sor.u32 s18, s17;
	v8 =	vsub.s32 $0x8, v13;
	v12 =	vperm.xlane v13, v10;
	v13 =	vperm.xlane v14, v3;
	(xrf0) =	vmax.scan.msk.u32 $0xffff, v16  }
0x58: {  	v14 =	vld [tilespmem:s17+$0x2080];
	s17 =	sadd.s32 $0x80, s15;
	vm2 =	vlt.s32 v8, $0x1000;
	[tilespmem:s12+$0xFFFFFFF0] =	vst v9  }
0x59: {  	s14 =	sadd.s32 $0x40, s14;
	v11 =	vperm.xlane v11, v10;
	s18 =	sadd.s32 $0xFFFFFFE0, s13;
	v16 =	vperm.xlane v15, v2;
	s17 =	sand.u32 $0x7C00, s17;
	vm3 =	vgt.s32 v13, v12;
	v17, _, _ =	vpop (xrf0);
	[tilespmem:s12+$0x0] =	vst v19  }
0x5a: {  	v18 =	vadd.s32 s14, v1;
	s18 =	sand.u32 $0x50, s18;
	s17 =	sshrl.u32 s17, $0x2;
	v9 =	vsel vm3, v13, v12;
	v12 =	vxor.u32 $0x80000000, v17  }
0x5b: {  	s19 =	sadd.s32 $0x10, s14;
	v11 =	vsel vm0, v16, v11;
	s17 =	sor.u32 s18, s17;
	v16 =	vperm.xlane v9, v10;
	v12 =	vperm.xlane v12, v3  }
0x5c: {  	v17 =	vadd.s32 s19, v1;
	vm3 =	vgt.f32 v11, v15;
	v11 =	vperm.xlane v15, v7;
	v13 =	vld [tilespmem:s17+$0x2080]  }
0x5d: {  	s18 =	sand.u32 $0x7C00, s15;
	s17 =	sadd.s32 $0xFFFFFFD0, s13;
	v15 =	vnsel vm3, $0xFFFFEFF6, v18;
	v18 =	vperm.xlane v14, v2;
	vm3 =	vgt.s32 v12, v16;
	v19, _, _ =	vpop (xrf0)  }
.Ltmp0:
0x5e: {  	s18 =	sshrl.u32 s18, $0x2;
	s17 =	sand.u32 $0x40, s17;
	v15 =	vperm.xlane v15, v3;
	v12 =	vsel vm3, v12, v16;
	v16 =	vxor.u32 $0x80000000, v19;
	(pc) =	sbr.rel @p0 .LBB2_2-.Ltmp0, $4  }
0x5f: {  	s17 =	sor.u32 s17, s18;
	v11 =	vsel vm0, v18, v11;
	v18 =	vperm.xlane v12, v10;
	v19 =	vperm.xlane v16, v3  }
0x60: {  	v16 =	vxor.u32 $0x80000000, v15;
	vm3 =	vgt.f32 v11, v14;
	v15 =	vperm.xlane v14, v7;
	v11 =	vld [tilespmem:s17+$0x2080]  }
0x61: {  	v14 =	vnsel vm3, $0xFFFFEFF6, v17;
	v17 =	vperm.xlane v13, v2;
	(xrf0) =	vmax.scan.msk.u32 $0xffff, v16;
	vm3 =	vgt.s32 v19, v18  }
0x62: {  	v12 =	vsub.s32 $0x8, v12;
	v16 =	vperm.xlane v14, v3;
	v14 =	vsel vm3, v19, v18  }
0x63: {  	_ =	sdelay $0x1  }
0x64: {  	v15 =	vsel vm0, v17, v15;
	s13 =	sadd.s32 $0x20, s14;
	v17 =	vperm.xlane v11, v2  }
0x65: {  	v16 =	vxor.u32 $0x80000000, v16;
	vm3 =	vgt.f32 v15, v13;
	v15 =	vadd.s32 s13, v1  }
0x66: {  	v13 =	vperm.xlane v13, v7;
	v15 =	vnsel vm3, $0xFFFFEFF6, v15;
	(xrf0) =	vmax.scan.msk.u32 $0xffff, v16  }
0x67: {  	s19 =	sadd.s32 $0x30, s14;
	v15 =	vperm.xlane v15, v3  }
0x68: {  	v16 =	vadd.s32 s19, v1;
	v13 =	vsel vm0, v17, v13;
	v17, _, _ =	vpop (xrf0)  }
0x69: {  	v15 =	vxor.u32 $0x80000000, v15;
	vm3 =	vgt.f32 v13, v11;
	v17 =	vxor.u32 $0x80000000, v17  }
0x6a: {  	v10 =	vperm.xlane v14, v10;
	v13 =	vnsel vm3, $0xFFFFEFF6, v16;
	(xrf0) =	vmax.scan.msk.u32 $0xffff, v15;
	v11 =	vperm.xlane v17, v3  }
0x6b: {  	v13 =	vperm.xlane v13, v3  }
0x6c: {  	v15, _, _ =	vpop (xrf0);
	vm3 =	vgt.s32 v11, v10  }
0x6d: {  	v13 =	vxor.u32 $0x80000000, v13;
	v10 =	vsel vm3, v11, v10;
	v11 =	vxor.u32 $0x80000000, v15  }
0x6e: {  	(xrf0) =	vmax.scan.msk.u32 $0xffff, v13;
	v15 =	vperm.xlane v10, v7;
	v11 =	vperm.xlane v11, v3;
	_ =	sdelay $0x1  }
0x6f: {  	v13, _, _ =	vpop (xrf0);
	vm3 =	vgt.s32 v11, v15  }
0x70: {  	v13 =	vxor.u32 $0x80000000, v13;
	v11 =	vsel vm3, v11, v15  }
0x71: {  	v13 =	vperm.xlane v13, v3;
	v15 =	vperm.xlane v11, v7  }
0x72: {  	v14 =	vsub.s32 $0x8, v14  }
0x73: {  	v9 =	vsub.s32 $0x8, v9;
	vm4 =	vlt.s32 v12, $0x1000;
	v16, _, _ =	vpop (xrf0);
	vm3 =	vgt.s32 v13, v15  }
0x74: {  	v8 =	vnsel vm2, $0x1000, v8;
	v13 =	vsel vm3, v13, v15;
	v15 =	vxor.u32 $0x80000000, v16  }
0x75: {  	s12 =	sadd.s32 $0xFFFFFFC0, s12;
	vm5 =	vlt.s32 v9, $0x1000;
	v16 =	vperm.xlane v13, v7;
	v15 =	vperm.xlane v15, v3  }
0x76: {  	v12 =	vnsel vm4, $0x1000, v12;
	[tilespmem:s12+$0x0] =	vst v8;
	v9 =	vnsel vm5, $0x1000, v9;
	vm3 =	vlt.s32 v14, $0x1000  }
0x77: {  	[tilespmem:s12+$0xFFFFFFF0] =	vst v9;
	v14 =	vnsel vm3, $0x1000, v14;
	v9 =	vsub.s32 $0x8, v13;
	vm3 =	vgt.s32 v15, v16  }
0x78: {  	v10 =	vsub.s32 $0x8, v10;
	[tilespmem:s12+$0xFFFFFFD0] =	vst v14;
	v14 =	vsel vm3, v15, v16;
	vm3 =	vlt.s32 v9, $0x1000  }
0x79: {  	s20 =	simm.s32 $0x0;
	[tilespmem:s12+$0xFFFFFFE0] =	vst v12;
	s12 =	sadd.s32 $0xFFFFFFC0, s12;
	v12 =	vsub.s32 $0x8, v14;
	v9 =	vnsel vm3, $0x1000, v9;
	vm3 =	vlt.s32 v10, $0x1000  }
0x7a: {  	s21 =	sand.u32 $0x7C00, s20;
	v8 =	vsub.s32 $0x8, v11;
	vm2 =	vlt.s32 v12, $0x1000;
	[tilespmem:s12+$0xFFFFFFE0] =	vst v9;
	v9 =	vnsel vm3, $0x1000, v10  }
0x7b: {  	s14 =	sshrl.u32 s21, $0x2;
	v11 =	vnsel vm2, $0x1000, v12;
	vm2 =	vlt.s32 v8, $0x1000;
	[tilespmem:s12+$0x0] =	vst v9  }
0x7c: {  	s15 =	sand.u32 $0x40, s20;
	s14 =	sor.u32 $0x2000, s14;
	[tilespmem:s12+$0xFFFFFFD0] =	vst v11;
	v8 =	vnsel vm2, $0x1000, v8  }
0x7d: {  	s22 =	sor.u32 s15, s14;
	[tilespmem:s12+$0xFFFFFFF0] =	vst v8  }
0x7e: {  	v8 =	vld [tilespmem:s22+$0x0]  }
0x7f: {  	s23 =	simm.s32 $0x10  }
0x80: {  	s24 =	simm.s32 $0x20;
	s16 =	sand.u32 $0x50, s23  }
0x81: {  	s16 =	sor.u32 s16, s14;
	v9 =	vld [tilespmem:s24+$0xFFFFFFE0]  }
0x82: {  	v10 =	vld [tilespmem:s16+$0x0]  }
0x83: {  	s25 =	simm.s32 $0x20;
	v11 =	vperm.xlane v8, v4  }
0x84: {  	s17 =	sand.u32 $0x60, s25;
	v12 =	vimm.f32 $0.0e+00  }
0x85: {  	s17 =	sor.u32 s17, s14;
	v13 =	vld [tilespmem:s24+$0xFFFFFFF0];
	v11 =	vsel vm1, v12, v11  }
0x86: {  	vm2 =	vgt.f32 v8, v11;
	v11 =	vld [tilespmem:s17+$0x0]  }
0x87: {  	s26 =	simm.s32 $0x30;
	v9 =	vxor.u32 $0x80000000, v9;
	v12 =	vperm.xlane v10, v4;
	v8 =	vperm.xlane v8, v6  }
0x88: {  	s18 =	sand.u32 $0x70, s26;
	v9 =	vnsel vm2, $0x80000000, v9  }
0x89: {  	s14 =	sor.u32 s18, s14;
	(xrf0) =	vmax.scan.msk.u32 $0xffff, v9;
	v8 =	vsel vm1, v8, v12;
	v9 =	vld [tilespmem:s24+$0x0]  }
0x8a: {  	s28 =	simm.s32 $0x200;
	vm2 =	vgt.f32 v10, v8;
	v8 =	vperm.xlane v10, v6;
	v10 =	vld [tilespmem:s14+$0x0]  }
0x8b: {  	v12 =	vxor.u32 $0x80000000, v13;
	s14 =	sand.u32 $0x7C00, s28;
	v13 =	vperm.xlane v11, v4  }
0x8c: {  	s29 =	simm.s32 $0x40;
	v12 =	vnsel vm2, $0x80000000, v12;
	s14 =	sshrl.u32 s14, $0x2  }
0x8d: {  	s19 =	sand.u32 $0x40, s29;
	(xrf0) =	vmax.scan.msk.u32 $0xffff, v12;
	v12 =	vld [tilespmem:s24+$0x10];
	s30 =	sor.u32 $0x2000, s14;
	v8 =	vsel vm1, v8, v13  }
0x8e: {  	s31 =	sor.u32 s19, s30;
	vm2 =	vgt.f32 v11, v8  }
0x8f: {  	v15 =	vld [tilespmem:s31+$0x0];
	v8 =	vxor.u32 $0x80000000, v9;
	v9, _, _ =	vpop (xrf0);
	v11 =	vperm.xlane v11, v6;
	v14 =	vperm.xlane v10, v4  }
0x90: {  	v9 =	vxor.u32 $0x80000000, v9;
	v8 =	vnsel vm2, $0x80000000, v8  }
0x91: {  	s16 =	simm.s32 $0x60;
	s14 =	simm.s32 $0x50;
	vm2 =	vgt.s32 v9, v7;
	(xrf0) =	vmax.scan.msk.u32 $0xffff, v8;
	v11 =	vsel vm1, v11, v14  }
0x92: {  	s17 =	sand.u32 $0x50, s14;
	v14 =	vld [tilespmem:s16+$0xFFFFFFE0];
	v7 =	vsel vm2, v9, v7;
	vm2 =	vgt.f32 v10, v11;
	v11 =	vxor.u32 $0x80000000, v12  }
0x93: {  	v13 =	vor.u32 s20, v0;
	s15 =	sor.u32 s17, s30;
	v18, _, _ =	vpop (xrf0);
	v17 =	vperm.xlane v7, v6;
	v11 =	vnsel vm2, $0x80000000, v11  }
0x94: {  	v19 =	vld [tilespmem:s15+$0x0];
	v10 =	vperm.xlane v10, v6;
	v12 =	vxor.u32 $0x80000000, v18;
	(xrf0) =	vmax.scan.msk.u32 $0xffff, v11;
	v11 =	vperm.xlane v15, v4  }
0x95: {  	v16 =	vor.u32 s25, v0;
	s19 =	simm.s32 $0x60;
	vm3 =	vgt.s32 v7, v13;
	v7 =	vld [tilespmem:s16+$0xFFFFFFF0];
	vm2 =	vgt.s32 v12, v17  }
0x96: {  	s20 =	sand.u32 $0x60, s19;
	v8 =	vor.u32 s23, v0;
	v12 =	vsel vm2, v12, v17;
	v10 =	vsel vm1, v10, v11  }
0x97: {  	s13 =	sor.u32 s20, s30;
	v11 =	vxor.u32 $0x80000000, v14;
	v13 =	vperm.xlane v12, v6;
	v20, _, _ =	vpop (xrf0);
	vm2 =	vgt.f32 v15, v10  }
0x98: {  	s21 =	simm.s32 $0x70;
	v10 =	vperm.xlane v15, v6;
	v15 =	vld [tilespmem:s13+$0x0];
	v14 =	vxor.u32 $0x80000000, v20;
	v11 =	vnsel vm2, $0x80000000, v11  }
0x99: {  	s22 =	sand.u32 $0x70, s21;
	v9 =	vor.u32 s26, v0;
	v20 =	vperm.xlane v19, v4;
	vm4 =	vgt.s32 v14, v13  }
0x9a: {  	s12 =	sor.u32 s22, s30;
	vm2 =	vgt.s32 v12, v8;
	v7 =	vxor.u32 $0x80000000, v7;
	v13 =	vsel vm4, v14, v13  }
0x9b: {  	(xrf0) =	vmax.scan.msk.u32 $0xffff, v11;
	v10 =	vsel vm1, v10, v20;
	vm4 =	vgt.s32 v13, v16;
	v8 =	vperm.xlane v13, v6;
	v11, _, _ =	vpop (xrf0);
	v13 =	vld [tilespmem:s12+$0x0]  }
0x9c: {  	v12 =	vld [tilespmem:s16+$0x0];
	vm5 =	vgt.f32 v19, v10;
	v10 =	vperm.xlane v19, v6;
	v11 =	vxor.u32 $0x80000000, v11  }
0x9d: {  	s12 =	simm.s32 $0x400;
	v16 =	vnsel vm5, $0x80000000, v7;
	v19 =	vperm.xlane v15, v4;
	vm6 =	vgt.s32 v11, v8  }
0x9e: {  	v18 =	vor.u32 s29, v0;
	s23 =	sand.u32 $0x7C00, s12;
	(xrf0) =	vmax.scan.msk.u32 $0xffff, v16;
	v16 =	vsel vm4, $0x3F800000, v5;
	v8 =	vsel vm6, v11, v8  }
0x9f: {  	s13 =	simm.s32 $0x80;
	s15 =	sshrl.u32 s23, $0x2;
	vm4 =	vgt.s32 v8, v9;
	v9 =	vperm.xlane v8, v6;
	v8 =	vsel vm1, v10, v19  }
0xa0: {  	s24 =	sand.u32 $0x40, s13;
	s25 =	sor.u32 $0x2000, s15;
	v11 =	vperm.xlane v15, v6;
	v10 =	vld [tilespmem:s16+$0x10];
	vm5 =	vgt.f32 v15, v8;
	v15 =	vperm.xlane v13, v4  }
0xa1: {  	v17 =	vor.u32 s14, v0;
	v14 =	vor.u32 s19, v0;
	s14 =	sor.u32 s24, s25;
	v8 =	vxor.u32 $0x80000000, v12;
	v12, _, _ =	vpop (xrf0)  }
0xa2: {  	v19 =	vld [tilespmem:s14+$0x0];
	v12 =	vxor.u32 $0x80000000, v12;
	v8 =	vnsel vm5, $0x80000000, v8;
	v11 =	vsel vm1, v11, v15  }
0xa3: {  	v20 =	vsel vm2, $0x3F800000, v5;
	v7 =	vor.u32 s21, v0;
	vm2 =	vgt.s32 v12, v9;
	(xrf0) =	vmax.scan.msk.u32 $0xffff, v8  }
0xa4: {  	s26 =	simm.s32 $0x90;
	s15 =	simm.s32 $0xA0;
	v21 =	vsel vm4, $0x3F800000, v5;
	v8 =	vor.u32 s13, v0;
	v9 =	vsel vm2, v12, v9  }
0xa5: {  	s28 =	sand.u32 $0x50, s26;
	v12 =	vld [tilespmem:s15+$0xFFFFFFE0];
	vm2 =	vgt.f32 v13, v11;
	v15 =	vperm.xlane v9, v6;
	v10 =	vxor.u32 $0x80000000, v10;
	v11, _, _ =	vpop (xrf0)  }
0xa6: {  	s16 =	sor.u32 s28, s25;
	v13 =	vperm.xlane v13, v6;
	v10 =	vnsel vm2, $0x80000000, v10;
	v22 =	vxor.u32 $0x80000000, v11  }
0xa7: {  	vm2 =	vgt.s32 v9, v18;
	v11 =	vld [tilespmem:s16+$0x0];
	(xrf0) =	vmax.scan.msk.u32 $0xffff, v10;
	v10 =	vperm.xlane v19, v4;
	vm4 =	vgt.s32 v22, v15  }
0xa8: {  	s29 =	simm.s32 $0xA0;
	v18 =	vsel vm3, $0x3F800000, v5;
	v9 =	vor.u32 s26, v0;
	v15 =	vsel vm4, v22, v15  }
0xa9: {  	s14 =	simm.s32 $0x1020;
	s16 =	sand.u32 $0x60, s29;
	v13 =	vsel vm1, v13, v10;
	v61, _, _ =	vpop (xrf0);
	vm3 =	vgt.s32 v15, v17;
	v17 =	vld [tilespmem:s15+$0xFFFFFFF0];
	v15 =	vperm.xlane v15, v6  }
0xaa: {  	[tilespmem:s14+$0x0] =	vst v16;
	s16 =	sor.u32 s16, s25;
	v10 =	vor.u32 s29, v0;
	v12 =	vxor.u32 $0x80000000, v12;
	v16 =	vxor.u32 $0x80000000, v61  }
0xab: {  	[tilespmem:s14+$0x10] =	vst v21;
	vm4 =	vgt.f32 v19, v13;
	v19 =	vperm.xlane v19, v6;
	v13 =	vld [tilespmem:s16+$0x0];
	vm5 =	vgt.s32 v16, v15  }
0xac: {  	s30 =	simm.s32 $0xB0;
	[tilespmem:s14+$0xFFFFFFF0] =	vst v20;
	v20 =	vnsel vm4, $0x80000000, v12;
	v62 =	vperm.xlane v11, v4;
	v15 =	vsel vm5, v16, v15  }
0xad: {  	s31 =	sand.u32 $0x70, s30;
	v12 =	vor.u32 s30, v0;
	(xrf0) =	vmax.scan.msk.u32 $0xffff, v20;
	v63, _, _ =	vpop (xrf0);
	vm4 =	vgt.s32 v15, v14;
	v15 =	vperm.xlane v15, v6  }
0xae: {  	s17 =	sor.u32 s31, s25;
	[tilespmem:s14+$0xFFFFFFE0] =	vst v18;
	s16 =	simm.s32 $0x8;
	v18 =	vsel vm1, v19, v62;
	v14 =	vld [tilespmem:s15+$0x0];
	v16 =	vxor.u32 $0x80000000, v17;
	v17 =	vxor.u32 $0x80000000, v63  }
.LBB2_4:
0xaf: {  	s16 =	sadd.s32 $0x4, s16;
	vm5 =	vgt.f32 v11, v18;
	v11 =	vperm.xlane v11, v6;
	v18 =	vld [tilespmem:s17+$0x0];
	vm6 =	vgt.s32 v17, v15  }
0xb0: {  	s12 =	sadd.s32 $0x200, s12;
	p0 =	slt.u32 s16, $0xFC;
	v16 =	vnsel vm5, $0x80000000, v16;
	v19 =	vperm.xlane v13, v4;
	v15 =	vsel vm6, v17, v15  }
0xb1: {  	s14 =	sadd.s32 $0x40, s14;
	s17 =	sand.u32 $0x7C00, s12;
	(xrf0) =	vmax.scan.msk.u32 $0xffff, v16;
	v16 =	vsel vm4, $0x3F800000, v5;
	vm4 =	vgt.s32 v15, v7;
	v15 =	vperm.xlane v15, v6;
	v7 =	vmovc v12  }
0xb2: {  	s13 =	sadd.s32 $0x40, s13;
	v17 =	vsel vm3, $0x3F800000, v5;
	s17 =	sshrl.u32 s17, $0x2;
	v11 =	vsel vm1, v11, v19;
	v12 =	vld [tilespmem:s15+$0x10];
	[tilespmem:s14+$0x0] =	vst v16;
	v16 =	vsel vm4, $0x3F800000, v5  }
0xb3: {  	s18 =	sand.u32 $0x40, s13;
	s17 =	sor.u32 $0x2000, s17;
	vm3 =	vgt.f32 v13, v11;
	v11 =	vxor.u32 $0x80000000, v14;
	v13 =	vperm.xlane v13, v6;
	v14, _, _ =	vpop (xrf0);
	[tilespmem:s14+$0x10] =	vst v16  }
0xb4: {  	s18 =	sor.u32 s18, s17;
	v14 =	vxor.u32 $0x80000000, v14;
	v11 =	vnsel vm3, $0x80000000, v11;
	v16 =	vperm.xlane v18, v4;
	[tilespmem:s14+$0xFFFFFFF0] =	vst v17  }
0xb5: {  	v19 =	vor.u32 s13, v0;
	v17 =	vld [tilespmem:s18+$0x0];
	vm3 =	vgt.s32 v14, v15;
	(xrf0) =	vmax.scan.msk.u32 $0xffff, v11;
	v11 =	vsel vm2, $0x3F800000, v5  }
0xb6: {  	s15 =	sadd.s32 $0x40, s15;
	s18 =	sadd.s32 $0x10, s13;
	v14 =	vsel vm3, v14, v15;
	v13 =	vsel vm1, v13, v16;
	[tilespmem:s14+$0xFFFFFFE0] =	vst v11  }
0xb7: {  	s19 =	sand.u32 $0x50, s18;
	v15 =	vld [tilespmem:s15+$0xFFFFFFE0];
	v16 =	vperm.xlane v14, v6;
	vm2 =	vgt.f32 v18, v13;
	v11 =	vxor.u32 $0x80000000, v12;
	v12, _, _ =	vpop (xrf0)  }
0xb8: {  	s19 =	sor.u32 s19, s17;
	v13 =	vor.u32 s18, v0;
	v12 =	vxor.u32 $0x80000000, v12;
	v20 =	vnsel vm2, $0x80000000, v11  }
0xb9: {  	vm2 =	vgt.s32 v14, v8;
	v8 =	vmovc v19;
	v11 =	vld [tilespmem:s19+$0x0];
	vm3 =	vgt.s32 v12, v16;
	(xrf0) =	vmax.scan.msk.u32 $0xffff, v20  }
0xba: {  	s18 =	sadd.s32 $0x20, s13;
	v14 =	vperm.xlane v17, v4;
	v12 =	vsel vm3, v12, v16;
	v16 =	vperm.xlane v18, v6  }
0xbb: {  	s19 =	sand.u32 $0x60, s18;
	v20 =	vor.u32 s18, v0;
	v19 =	vld [tilespmem:s15+$0xFFFFFFF0];
	vm3 =	vgt.s32 v12, v9;
	v12 =	vperm.xlane v12, v6;
	v9, _, _ =	vpop (xrf0)  }
.Ltmp1:
0xbc: {  	s18 =	sor.u32 s19, s17;
	v14 =	vsel vm1, v16, v14;
	v15 =	vxor.u32 $0x80000000, v15;
	v16 =	vxor.u32 $0x80000000, v9;
	v9 =	vmovc v13;
	(pc) =	sbr.rel @p0 .LBB2_4-.Ltmp1, $4  }
0xbd: {  	vm4 =	vgt.f32 v17, v14;
	v14 =	vperm.xlane v17, v6;
	v13 =	vld [tilespmem:s18+$0x0];
	vm5 =	vgt.s32 v16, v12  }
0xbe: {  	s18 =	sadd.s32 $0x30, s13;
	v15 =	vnsel vm4, $0x80000000, v15;
	v17 =	vperm.xlane v11, v4;
	v16 =	vsel vm5, v16, v12  }
0xbf: {  	s19 =	sand.u32 $0x70, s18;
	v12 =	vor.u32 s18, v0;
	(xrf0) =	vmax.scan.msk.u32 $0xffff, v15;
	vm4 =	vgt.s32 v16, v10;
	v15 =	vperm.xlane v16, v6;
	v10, _, _ =	vpop (xrf0)  }
0xc0: {  	s17 =	sor.u32 s19, s17;
	v18 =	vsel vm1, v14, v17;
	v16 =	vxor.u32 $0x80000000, v19;
	v14 =	vld [tilespmem:s15+$0x0];
	v17 =	vxor.u32 $0x80000000, v10;
	v10 =	vmovc v20  }
0xc1: {  	vm5 =	vgt.f32 v11, v18;
	v47 =	vld [tilespmem:s17+$0x0]  }
0xc2: {  	v46 =	vperm.xlane v11, v6;
	v16 =	vnsel vm5, $0x80000000, v16;
	v19 =	vperm.xlane v13, v4  }
0xc3: {  	vm6 =	vgt.s32 v17, v15;
	(xrf0) =	vmax.scan.msk.u32 $0xffff, v16  }
0xc4: {  	v49 =	vld [tilespmem:s15+$0x10];
	v15 =	vsel vm6, v17, v15;
	v51 =	vperm.xlane v13, v6;
	v11 =	vsel vm1, v46, v19  }
0xc5: {  	v48 =	vperm.xlane v15, v6;
	vm10 =	vgt.f32 v13, v11;
	v50 =	vxor.u32 $0x80000000, v14;
	v52, _, _ =	vpop (xrf0)  }
0xc6: {  	v14 =	vxor.u32 $0x80000000, v52;
	v11 =	vnsel vm10, $0x80000000, v50;
	v53 =	vperm.xlane v47, v4  }
0xc7: {  	vm11 =	vgt.s32 v14, v48;
	(xrf0) =	vmax.scan.msk.u32 $0xffff, v11  }
0xc8: {  	v54 =	vsel vm11, v14, v48;
	v13 =	vsel vm1, v51, v53  }
0xc9: {  	v55 =	vxor.u32 $0x80000000, v49;
	v14 =	vperm.xlane v54, v6;
	vm12 =	vgt.f32 v47, v13;
	v56, _, _ =	vpop (xrf0)  }
0xca: {  	v16 =	vxor.u32 $0x80000000, v56;
	v13 =	vnsel vm12, $0x80000000, v55  }
0xcb: {  	vm13 =	vgt.s32 v16, v14;
	(xrf0) =	vmax.scan.msk.u32 $0xffff, v13  }
0xcc: {  	v57 =	vsel vm13, v16, v14  }
0xcd: {  	v14 =	vperm.xlane v57, v6;
	v58, _, _ =	vpop (xrf0)  }
0xce: {  	v16 =	vxor.u32 $0x80000000, v58  }
0xcf: {  	vm14 =	vgt.s32 v16, v14  }
0xd0: {  	v14 =	vsel vm14, v16, v14  }
0xd1: {  	v59 =	vsel vm4, $0x3F800000, v5;
	s12 =	sadd.s32 $0x40, s14;
	vm15 =	vgt.s32 v15, v7;
	v7 =	vperm.xlane v14, v6;
	v60, _, _ =	vpop (xrf0)  }
0xd2: {  	v62 =	vsel vm3, $0x3F800000, v5;
	[tilespmem:s12+$0x0] =	vst v59;
	v15 =	vxor.u32 $0x80000000, v60  }
0xd3: {  	v63 =	vsel vm2, $0x3F800000, v5;
	[tilespmem:s12+$0xFFFFFFF0] =	vst v62;
	vm3 =	vgt.s32 v15, v7  }
0xd4: {  	[tilespmem:s12+$0xFFFFFFE0] =	vst v63;
	v61 =	vsel vm15, $0x3F800000, v5;
	vm2 =	vgt.s32 v14, v10;
	v7 =	vsel vm3, v15, v7  }
0xd5: {  	[tilespmem:s12+$0x10] =	vst v61;
	s12 =	sadd.s32 $0x40, s12;
	v10 =	vsel vm2, $0x3F800000, v5;
	vm2 =	vgt.s32 v7, v12  }
0xd6: {  	[tilespmem:s12+$0x0] =	vst v10;
	vm3 =	vgt.s32 v57, v9;
	v7 =	vsel vm2, $0x3F800000, v5  }
0xd7: {  	s1 =	sadd.s32 $0x1, s1;
	vm2 =	vgt.s32 v54, v8;
	v8 =	vsel vm3, $0x3F800000, v5;
	[tilespmem:s12+$0x10] =	vst v7  }
0xd8: {  	p0 =	sne.s32 s1, s5;
	[tilespmem:s12+$0xFFFFFFF0] =	vst v8;
	v7 =	vsel vm2, $0x3F800000, v5  }
.Ltmp2:
0xd9: {  	[tilespmem:s12+$0xFFFFFFE0] =	vst v7;
	(pc) =	sbr.rel @p0 .LBB2_1-.Ltmp2, $4  }
0xda: {  	[hbm4b:s4+s10] =	stream.strided.scatter [tilespmem:s11], [sflag:$0x1], $0x1000, s6, s10, $0x38;
	[tilespmem:$0x4000] =	vst v63  }
0xdb: {  	_ =	swait.ge [sflag:s9], $0x1000  }
0xdc: {  	[sflag:s9] =	ssyncset.done $0x0  }
0xdd: {  	[sflag:s9] =	ssyncadd.s32 $0xFFFFF000  }
0xde: {  	_ =	sfence.sel $0x180000  }
0xdf: {  	[bflag:$0x0] =	sbarrier.arrive $0xFFFF  }
0xe0: {  	p0 =	sne.s32 s2, $0x0;
	_ =	strace $0x90000047  }
0xe1: {  	s0 =	sadd.s32 @!p0 $0x100000, s0;
	[bflag:$0x2] =	sbarrier.arrive $0xFFFF  }
0xe2: {  	[sflag:s0] =	ssyncadd.tile.s32 @!p0 $0x1;
	_ =	shalt  }
.Lfunc_end2:
_tile_overlayer_lowered:
.L_overlay_start_2:
0xe3: {  	(tag) =	ssettag $0x2  }
0xe4: {  	s0 =	rddreg [dreg:$0x0];
	s2 =	stileid.u32  }
0xe5: {  	s1 =	rddreg [dreg:$0x1];
	p0 =	sne.s32 s2, $0x0  }
0xe6: {  	s3 =	rddreg [dreg:$0x2];
	[bflag:$0x3] =	sbarrier.arrive $0xFFFF;
	s2 =	simm.s32 @!p0 $0x1C01  }
0xe7: {  	[timem:s3], [sflag:s2] =	dma.local @!p0 [hbm:s0], s1  }
0xe8: {  	s0 =	simm.s32 @!p0 $0x1  }
0xe9: {  	_ =	swait.ge @!p0 [sflag:s0], s1  }
0xea: {  	s1 =	ssub.s32 @!p0 $0x0, s1;
	[sflag:s0] =	ssyncset.done @!p0 $0x0  }
0xeb: {  	[sflag:s0] =	ssyncadd.s32 @!p0 s1  }
0xec: {  	[bflag:$0x3] =	sbarrier.arrive $0xFFFF  }
0xed: {  	_ =	shalt  }

</sc_bundles>
